<compile_context>
chip_gen: v7x
topology: tpu7x:2x2x1
jax: 0.10.2.dev20260603
libtpu: 0.0.44.dev20260713+nightly
codegen_flags: <defaults>
</compile_context>

<pallas_src>
import functools

import jax
import jax.numpy as jnp
from jax import lax
from jax.experimental import pallas as pl
from jax.experimental.pallas import tpu as pltpu
from jax.experimental.pallas import tpu_sc as plsc

_NS = 16
_LANES = 16


@functools.lru_cache(maxsize=None)
def _build_gather(B, D, V, nc=1):
    NW = nc * _NS
    assert B % (8 * NW) == 0 and D % _LANES == 0
    b_per_w = B // NW
    n_g = -(-b_per_w // 128)
    g = b_per_w // n_g
    mesh = plsc.VectorSubcoreMesh(
        core_axis_name="c", subcore_axis_name="s", num_cores=nc)

    @functools.partial(
        pl.kernel,
        mesh=mesh,
        compiler_params=pltpu.CompilerParams(use_tc_tiling_on_sc=False),
        out_type=jax.ShapeDtypeStruct((B, D), jnp.float32),
        scratch_types=[
            pltpu.VMEM((b_per_w,), jnp.int32),
            pltpu.VMEM((b_per_w, D), jnp.float32),
            pltpu.SemaphoreType.DMA,
        ],
    )
    def k(idx_hbm, table_hbm, out_hbm, idx_v, rows_v, sem):
        c = lax.axis_index("c")
        s = lax.axis_index("s")
        wid = s * nc + c
        base = wid * b_per_w

        pltpu.sync_copy(idx_hbm.at[pl.ds(base, b_per_w)], idx_v)
        gs = [
            pltpu.async_copy(
                table_hbm.at[idx_v.at[pl.ds(i * g, g)]],
                rows_v.at[pl.ds(i * g, g)], sem)
            for i in range(n_g)
        ]
        for i, gg in enumerate(gs):
            gg.wait()
            pltpu.sync_copy(rows_v.at[pl.ds(i * g, g)],
                            out_hbm.at[pl.ds(base + i * g, g)])

    return k


def _count_body(l_ref, out_ref):
    out_ref[0] = jnp.sum((l_ref[...] > 0).astype(jnp.int32))


@functools.lru_cache(maxsize=None)
def _build_count(B):
    return pl.pallas_call(
        _count_body,
        out_shape=jax.ShapeDtypeStruct((1,), jnp.int32),
        in_specs=[pl.BlockSpec(memory_space=pltpu.VMEM)],
        out_specs=pl.BlockSpec(memory_space=pltpu.SMEM),
    )


def kernel(X, L, W):
    B = X.shape[0]
    V, D = W.shape
    idx = X[:, 0]
    data = _build_gather(B, D, V)(idx, W)
    bs = _build_count(B)(L.astype(jnp.int32))
    return data, bs

# --- scband reference (transcript-rebuilt; emitter-appended) ---
"""Pipeline reference for scband-character-embedding-24455543783768 (READ-ONLY COPY).

The authoritative reference and input builder live on the scoring server;
editing this copy changes nothing except your own understanding.
"""

import jax, jax.numpy as jnp
import numpy as np

B, T, V, D = 4096, 200, 256, 64

def setup_inputs(seed: int = 0) -> dict:
    key = jax.random.key(seed)
    k1, k2 = jax.random.split(key)
    # X: padded char-index batch (int64 in spec; int32 here since x64 is off by default)
    X = jax.random.randint(k1, (B, T), 0, V, dtype=jnp.int32)
    # L: sequence lengths; must be non-increasing for pack_padded_sequence(enforce_sorted=True).
    # Spec fill='ones' -> all lengths equal to 1 (trivially sorted, all in-range).
    L = jnp.ones((B,), dtype=jnp.int32)
    # Learned embedding table, padding_idx=0 row zeroed (matches nn.Embedding(padding_idx=0)).
    W = jax.random.normal(k2, (V, D), dtype=jnp.float32)
    W = W.at[0].set(0.0)
    return {"X": X, "L": L, "W": W}

def _pack_padded(emb, L):
    # Faithful re-implementation of torch.nn.utils.rnn.pack_padded_sequence (batch_first=True).
    # Requires L sorted in non-increasing order. With fill='ones', every length is
    # exactly 1, so Tmax == 1 and every sequence contributes its t=0 step.
    Tmax = 1
    pieces = [emb[:L.shape[0], t, :] for t in range(Tmax)]
    data = jnp.concatenate(pieces, axis=0)
    batch_sizes = jnp.stack([(L > t).sum() for t in range(Tmax)]).astype(jnp.int64)
    return data, batch_sizes

def reference(X, L, W):
    # batch_first=True, so no transpose
    emb = jnp.take(W, X, axis=0)  # embedding gather over the full padded [B, T] batch
    data, batch_sizes = _pack_padded(emb, L)
    # PackedSequence is represented by its (data, batch_sizes) pair
    return data, batch_sizes

if __name__ == "__main__":
    import jax
    _d = setup_inputs()
    print(jax.jit(kernel)(*tuple(_d.values())))

</pallas_src>

<mosaic_0001>
#map = affine_map<(d0, d1) -> (0)>
#map1 = affine_map<(d0, d1) -> (0, 0)>
module attributes {stable_mosaic.version = 14 : i64} {
  func.func @k(%arg0: i32, %arg1: i32, %arg2: memref<4096xi32, #tpu.memory_space<hbm>>, %arg3: memref<256x64xf32, #tpu.memory_space<hbm>>, %arg4: memref<4096x64xf32, #tpu.memory_space<hbm>>, %arg5: memref<256xi32, #tpu.memory_space<vmem>>, %arg6: memref<256x64xf32, #tpu.memory_space<vmem>>, %arg7: memref<!tpu.dma_semaphore, #tpu.memory_space<semaphore_mem>>) attributes {dimension_semantics = [#tpu.dimension_semantics<core_parallel>, #tpu.dimension_semantics<subcore_parallel>], iteration_bounds = array<i64: 1, 16>, scalar_prefetch = 0 : i64, scratch_operands = 3 : i64, tpu.core_type = #tpu.core_type<sc_vector_subcore>, window_params = [{transform_indices = #map}, {transform_indices = #map1}, {transform_indices = #map1}]} {
    %mul3A = arith.constant 1 : i32
    %mul3A_0 = arith.muli %arg1, %mul3A : i32
    %add3A = arith.addi %mul3A_0, %arg0 : i32
    %mul3A_1 = arith.constant 256 : i32
    %mul3A_2 = arith.muli %add3A, %mul3A_1 : i32
    "tpu.region"() ({
      %run_scoped3A = tpu.sem_alloc : memref<!tpu.dma_semaphore, #tpu.memory_space<semaphore_mem>>
      %dma_start3A_37 = tpu.memref_slice %arg2[%mul3A_2] : memref<4096xi32, #tpu.memory_space<hbm>> -> memref<256xi32, #tpu.memory_space<hbm>>
      %dma_start3A_38 = tpu.memref_slice %arg2[%mul3A_2] : memref<4096xi32, #tpu.memory_space<hbm>> -> memref<256xi32, #tpu.memory_space<hbm>>
      tpu.enqueue_dma source(%dma_start3A_38 : memref<256xi32, #tpu.memory_space<hbm>>) target(%arg5 : memref<256xi32, #tpu.memory_space<vmem>>) target_semaphore(%run_scoped3A : memref<!tpu.dma_semaphore, #tpu.memory_space<semaphore_mem>>)
      %dma_wait3A_39 = tpu.memref_slice %arg2[%mul3A_2] : memref<4096xi32, #tpu.memory_space<hbm>> -> memref<256xi32, #tpu.memory_space<hbm>>
      %dma_wait3A_40 = tpu.memref_slice %arg2[%mul3A_2] : memref<4096xi32, #tpu.memory_space<hbm>> -> memref<256xi32, #tpu.memory_space<hbm>>
      tpu.wait_dma2 semaphore(%run_scoped3A : memref<!tpu.dma_semaphore, #tpu.memory_space<semaphore_mem>>) src(%dma_wait3A_40 : memref<256xi32, #tpu.memory_space<hbm>>) dst(%arg5 : memref<256xi32, #tpu.memory_space<vmem>>)
      tpu.yield
    }) : () -> ()
    %dma_start3A = arith.constant 0 : i32
    %dma_start3A_3 = arith.constant 0 : i32
    %dma_start3A_4 = tpu.memref_slice %arg6[%dma_start3A, %dma_start3A_3] : memref<256x64xf32, #tpu.memory_space<vmem>> -> memref<128x64xf32, #tpu.memory_space<vmem>>
    %dma_start3A_5 = arith.constant 0 : i32
    %dma_start3A_6 = tpu.memref_slice %arg5[%dma_start3A_5] : memref<256xi32, #tpu.memory_space<vmem>> -> memref<128xi32, #tpu.memory_space<vmem>>
    %dma_start3A_7 = arith.constant 0 : i32
    %dma_start3A_8 = arith.constant 0 : i32
    %dma_start3A_9 = tpu.memref_slice %arg3[%dma_start3A_7, %dma_start3A_8] : memref<256x64xf32, #tpu.memory_space<hbm>> -> memref<256x64xf32, #tpu.memory_space<hbm>>
    tpu.enqueue_indirect_dma source(%dma_start3A_9 : memref<256x64xf32, #tpu.memory_space<hbm>>) target(%dma_start3A_4 : memref<128x64xf32, #tpu.memory_space<vmem>>) offsets(%dma_start3A_6 : memref<128xi32, #tpu.memory_space<vmem>>) semaphore(%arg7 : memref<!tpu.dma_semaphore, #tpu.memory_space<semaphore_mem>>)
    %dma_start3A_10 = arith.constant 128 : i32
    %dma_start3A_11 = arith.constant 0 : i32
    %dma_start3A_12 = tpu.memref_slice %arg6[%dma_start3A_10, %dma_start3A_11] : memref<256x64xf32, #tpu.memory_space<vmem>> -> memref<128x64xf32, #tpu.memory_space<vmem>>
    %dma_start3A_13 = arith.constant 128 : i32
    %dma_start3A_14 = tpu.memref_slice %arg5[%dma_start3A_13] : memref<256xi32, #tpu.memory_space<vmem>> -> memref<128xi32, #tpu.memory_space<vmem>>
    %dma_start3A_15 = arith.constant 0 : i32
    %dma_start3A_16 = arith.constant 0 : i32
    %dma_start3A_17 = tpu.memref_slice %arg3[%dma_start3A_15, %dma_start3A_16] : memref<256x64xf32, #tpu.memory_space<hbm>> -> memref<256x64xf32, #tpu.memory_space<hbm>>
    tpu.enqueue_indirect_dma source(%dma_start3A_17 : memref<256x64xf32, #tpu.memory_space<hbm>>) target(%dma_start3A_12 : memref<128x64xf32, #tpu.memory_space<vmem>>) offsets(%dma_start3A_14 : memref<128xi32, #tpu.memory_space<vmem>>) semaphore(%arg7 : memref<!tpu.dma_semaphore, #tpu.memory_space<semaphore_mem>>)
    %dma_wait3A = arith.constant 0 : i32
    %dma_wait3A_18 = arith.constant 0 : i32
    %dma_wait3A_19 = tpu.memref_slice %arg6[%dma_wait3A, %dma_wait3A_18] : memref<256x64xf32, #tpu.memory_space<vmem>> -> memref<128x64xf32, #tpu.memory_space<vmem>>
    %dma_wait3A_20 = arith.constant 0 : i32
    %dma_wait3A_21 = tpu.memref_slice %arg5[%dma_wait3A_20] : memref<256xi32, #tpu.memory_space<vmem>> -> memref<128xi32, #tpu.memory_space<vmem>>
    %dma_wait3A_22 = arith.constant 0 : i32
    %dma_wait3A_23 = arith.constant 0 : i32
    %dma_wait3A_24 = tpu.memref_slice %arg3[%dma_wait3A_22, %dma_wait3A_23] : memref<256x64xf32, #tpu.memory_space<hbm>> -> memref<256x64xf32, #tpu.memory_space<hbm>>
    tpu.wait_indirect_dma semaphore(%arg7 : memref<!tpu.dma_semaphore, #tpu.memory_space<semaphore_mem>>) src(%dma_wait3A_24 : memref<256x64xf32, #tpu.memory_space<hbm>>) dst(%dma_wait3A_19 : memref<128x64xf32, #tpu.memory_space<vmem>>)
    %add3A_25 = arith.constant 0 : i32
    %add3A_26 = arith.addi %mul3A_2, %add3A_25 : i32
    "tpu.region"() ({
      %run_scoped3A = tpu.sem_alloc : memref<!tpu.dma_semaphore, #tpu.memory_space<semaphore_mem>>
      %dma_start3A_37 = arith.constant 0 : i32
      %dma_start3A_38 = arith.constant 0 : i32
      %dma_start3A_39 = tpu.memref_slice %arg6[%dma_start3A_37, %dma_start3A_38] : memref<256x64xf32, #tpu.memory_space<vmem>> -> memref<128x64xf32, #tpu.memory_space<vmem>>
      %dma_start3A_40 = arith.constant 0 : i32
      %dma_start3A_41 = tpu.memref_slice %arg4[%add3A_26, %dma_start3A_40] : memref<4096x64xf32, #tpu.memory_space<hbm>> -> memref<128x64xf32, #tpu.memory_space<hbm>>
      %dma_start3A_42 = arith.constant 0 : i32
      %dma_start3A_43 = tpu.memref_slice %arg4[%add3A_26, %dma_start3A_42] : memref<4096x64xf32, #tpu.memory_space<hbm>> -> memref<128x64xf32, #tpu.memory_space<hbm>>
      %dma_start3A_44 = arith.constant 0 : i32
      %dma_start3A_45 = arith.constant 0 : i32
      %dma_start3A_46 = tpu.memref_slice %arg6[%dma_start3A_44, %dma_start3A_45] : memref<256x64xf32, #tpu.memory_space<vmem>> -> memref<128x64xf32, #tpu.memory_space<vmem>>
      tpu.enqueue_dma source(%dma_start3A_46 : memref<128x64xf32, #tpu.memory_space<vmem>>) target(%dma_start3A_43 : memref<128x64xf32, #tpu.memory_space<hbm>>) target_semaphore(%run_scoped3A : memref<!tpu.dma_semaphore, #tpu.memory_space<semaphore_mem>>)
      %dma_wait3A_47 = arith.constant 0 : i32
      %dma_wait3A_48 = arith.constant 0 : i32
      %dma_wait3A_49 = tpu.memref_slice %arg6[%dma_wait3A_47, %dma_wait3A_48] : memref<256x64xf32, #tpu.memory_space<vmem>> -> memref<128x64xf32, #tpu.memory_space<vmem>>
      %dma_wait3A_50 = arith.constant 0 : i32
      %dma_wait3A_51 = tpu.memref_slice %arg4[%add3A_26, %dma_wait3A_50] : memref<4096x64xf32, #tpu.memory_space<hbm>> -> memref<128x64xf32, #tpu.memory_space<hbm>>
      %dma_wait3A_52 = arith.constant 0 : i32
      %dma_wait3A_53 = tpu.memref_slice %arg4[%add3A_26, %dma_wait3A_52] : memref<4096x64xf32, #tpu.memory_space<hbm>> -> memref<128x64xf32, #tpu.memory_space<hbm>>
      %dma_wait3A_54 = arith.constant 0 : i32
      %dma_wait3A_55 = arith.constant 0 : i32
      %dma_wait3A_56 = tpu.memref_slice %arg6[%dma_wait3A_54, %dma_wait3A_55] : memref<256x64xf32, #tpu.memory_space<vmem>> -> memref<128x64xf32, #tpu.memory_space<vmem>>
      tpu.wait_dma2 semaphore(%run_scoped3A : memref<!tpu.dma_semaphore, #tpu.memory_space<semaphore_mem>>) src(%dma_wait3A_56 : memref<128x64xf32, #tpu.memory_space<vmem>>) dst(%dma_wait3A_53 : memref<128x64xf32, #tpu.memory_space<hbm>>)
      tpu.yield
    }) : () -> ()
    %dma_wait3A_27 = arith.constant 128 : i32
    %dma_wait3A_28 = arith.constant 0 : i32
    %dma_wait3A_29 = tpu.memref_slice %arg6[%dma_wait3A_27, %dma_wait3A_28] : memref<256x64xf32, #tpu.memory_space<vmem>> -> memref<128x64xf32, #tpu.memory_space<vmem>>
    %dma_wait3A_30 = arith.constant 128 : i32
    %dma_wait3A_31 = tpu.memref_slice %arg5[%dma_wait3A_30] : memref<256xi32, #tpu.memory_space<vmem>> -> memref<128xi32, #tpu.memory_space<vmem>>
    %dma_wait3A_32 = arith.constant 0 : i32
    %dma_wait3A_33 = arith.constant 0 : i32
    %dma_wait3A_34 = tpu.memref_slice %arg3[%dma_wait3A_32, %dma_wait3A_33] : memref<256x64xf32, #tpu.memory_space<hbm>> -> memref<256x64xf32, #tpu.memory_space<hbm>>
    tpu.wait_indirect_dma semaphore(%arg7 : memref<!tpu.dma_semaphore, #tpu.memory_space<semaphore_mem>>) src(%dma_wait3A_34 : memref<256x64xf32, #tpu.memory_space<hbm>>) dst(%dma_wait3A_29 : memref<128x64xf32, #tpu.memory_space<vmem>>)
    %add3A_35 = arith.constant 128 : i32
    %add3A_36 = arith.addi %mul3A_2, %add3A_35 : i32
    "tpu.region"() ({
      %run_scoped3A = tpu.sem_alloc : memref<!tpu.dma_semaphore, #tpu.memory_space<semaphore_mem>>
      %dma_start3A_37 = arith.constant 128 : i32
      %dma_start3A_38 = arith.constant 0 : i32
      %dma_start3A_39 = tpu.memref_slice %arg6[%dma_start3A_37, %dma_start3A_38] : memref<256x64xf32, #tpu.memory_space<vmem>> -> memref<128x64xf32, #tpu.memory_space<vmem>>
      %dma_start3A_40 = arith.constant 0 : i32
      %dma_start3A_41 = tpu.memref_slice %arg4[%add3A_36, %dma_start3A_40] : memref<4096x64xf32, #tpu.memory_space<hbm>> -> memref<128x64xf32, #tpu.memory_space<hbm>>
      %dma_start3A_42 = arith.constant 0 : i32
      %dma_start3A_43 = tpu.memref_slice %arg4[%add3A_36, %dma_start3A_42] : memref<4096x64xf32, #tpu.memory_space<hbm>> -> memref<128x64xf32, #tpu.memory_space<hbm>>
      %dma_start3A_44 = arith.constant 128 : i32
      %dma_start3A_45 = arith.constant 0 : i32
      %dma_start3A_46 = tpu.memref_slice %arg6[%dma_start3A_44, %dma_start3A_45] : memref<256x64xf32, #tpu.memory_space<vmem>> -> memref<128x64xf32, #tpu.memory_space<vmem>>
      tpu.enqueue_dma source(%dma_start3A_46 : memref<128x64xf32, #tpu.memory_space<vmem>>) target(%dma_start3A_43 : memref<128x64xf32, #tpu.memory_space<hbm>>) target_semaphore(%run_scoped3A : memref<!tpu.dma_semaphore, #tpu.memory_space<semaphore_mem>>)
      %dma_wait3A_47 = arith.constant 128 : i32
      %dma_wait3A_48 = arith.constant 0 : i32
      %dma_wait3A_49 = tpu.memref_slice %arg6[%dma_wait3A_47, %dma_wait3A_48] : memref<256x64xf32, #tpu.memory_space<vmem>> -> memref<128x64xf32, #tpu.memory_space<vmem>>
      %dma_wait3A_50 = arith.constant 0 : i32
      %dma_wait3A_51 = tpu.memref_slice %arg4[%add3A_36, %dma_wait3A_50] : memref<4096x64xf32, #tpu.memory_space<hbm>> -> memref<128x64xf32, #tpu.memory_space<hbm>>
      %dma_wait3A_52 = arith.constant 0 : i32
      %dma_wait3A_53 = tpu.memref_slice %arg4[%add3A_36, %dma_wait3A_52] : memref<4096x64xf32, #tpu.memory_space<hbm>> -> memref<128x64xf32, #tpu.memory_space<hbm>>
      %dma_wait3A_54 = arith.constant 128 : i32
      %dma_wait3A_55 = arith.constant 0 : i32
      %dma_wait3A_56 = tpu.memref_slice %arg6[%dma_wait3A_54, %dma_wait3A_55] : memref<256x64xf32, #tpu.memory_space<vmem>> -> memref<128x64xf32, #tpu.memory_space<vmem>>
      tpu.wait_dma2 semaphore(%run_scoped3A : memref<!tpu.dma_semaphore, #tpu.memory_space<semaphore_mem>>) src(%dma_wait3A_56 : memref<128x64xf32, #tpu.memory_space<vmem>>) dst(%dma_wait3A_53 : memref<128x64xf32, #tpu.memory_space<hbm>>)
      tpu.yield
    }) : () -> ()
    return
  }
}

module attributes {stable_mosaic.version = 14 : i64} {
  func.func @_count_body(%arg0: memref<4096xi32, #tpu.memory_space<vmem>>, %arg1: memref<1xi32, #tpu.memory_space<smem>>) attributes {dimension_semantics = [], scalar_prefetch = 0 : i64, scratch_operands = 0 : i64, tpu.core_type = #tpu.core_type<tc>} {
    %get3A = arith.constant 0 : index
    %get3A_0 = vector.load %arg0[%get3A] : memref<4096xi32, #tpu.memory_space<vmem>>, vector<4096xi32>
    %gt3A = arith.constant 0 : i32
    %gt3A_1 = vector.broadcast %gt3A : i32 to vector<4096xi32>
    %gt3A_2 = arith.cmpi sgt, %get3A_0, %gt3A_1 : vector<4096xi32>
    %convert_element_type3A = arith.extui %gt3A_2 : vector<4096xi1> to vector<4096xi32>
    %reduce_sum3A = vector.shape_cast %convert_element_type3A : vector<4096xi32> to vector<1x4096xi32>
    %reduce_sum3A_3 = arith.constant dense<0> : vector<1xi32>
    %reduce_sum3A_4 = vector.multi_reduction <add>, %reduce_sum3A, %reduce_sum3A_3 [1] : vector<1x4096xi32> to vector<1xi32>
    %reduce_sum3A_5 = vector.shape_cast %reduce_sum3A_4 : vector<1xi32> to vector<1x1xi32>
    %reduce_sum3A_6 = vector.extract %reduce_sum3A_5[0, 0] : i32 from vector<1x1xi32>
    %swap3A = arith.constant 0 : index
    %swap3A_7 = memref.load %arg1[%swap3A] : memref<1xi32, #tpu.memory_space<smem>>
    memref.store %reduce_sum3A_6, %arg1[%swap3A] : memref<1xi32, #tpu.memory_space<smem>>
    return
  }
}

</mosaic_0001>

<sc_bundles>
// kernel: kernel.4.cloned.1.call-start
scs
__scs_entry_jumppad:
0x0: {  	(pc) =	sbr.rel $0x88, $3  }
0x1: {  	(tag) =	ssettag $0x0;
	lr =	simm.s32 $0x1  }
0x2: {  	[smem:$0x3F9E] =	sst lr;
	_ =	strace $0xD0000000  }
0x3: {  	_ = 	snop  }
0x4: {  	_ = 	snop  }
0x5: {  	_ = 	snop  }
0x6: {  	_ = 	snop  }
0x7: {  	_ = 	snop  }
__scs_overlays_trampoline_lowered:
0x8: {  	[smem:$0x3FAD] =	sst s0  }
0x9: {  	[smem:$0x3FAE] =	sst s1  }
0xa: {  	[smem:$0x3FAF] =	sst s2  }
0xb: {  	[smem:$0x3FB0] =	sst s3  }
0xc: {  	[smem:$0x3FB1] =	sst s4  }
0xd: {  	[smem:$0x3FB2] =	sst s5  }
0xe: {  	[smem:$0x3FB3] =	sst s6  }
0xf: {  	[smem:$0x3FB4] =	sst s7  }
0x10: {  	[smem:$0x3FB5] =	sst s8  }
0x11: {  	[smem:$0x3FB6] =	sst s9;
	s0 =	simm.s32 @!p0 $0x0  }
0x12: {  	s1 =	sld [smem:$0x3F9C];
	s0 =	simm.s32 @p0 $0x1  }
0x13: {  	[smem:$0x3FB7] =	sst s0;
	s0 =	simm.s32 @!p1 $0x0  }
0x14: {  	s2 =	sld [smem:$0x3F9B];
	s0 =	simm.s32 @p1 $0x1  }
0x15: {  	[smem:$0x3FB8] =	sst s0;
	s0 =	simm.s32 @!p2 $0x0  }
0x16: {  	s3 =	sld [smem:$0x3FDB];
	s0 =	simm.s32 @p2 $0x1  }
0x17: {  	s4 =	simm.s32 $0x1BF5;
	[smem:$0x3FBA] =	sst s0  }
0x18: {  	s0 =	sld [smem:$0x3F9D];
	_ =	swait.ge [sflag:s4], $0x0  }
0x19: {  	s7 =	sld [smem:$0x3F9E]  }
0x1a: {  	s8 =	sadd.s32 $0xFFFFE003, lr  }
0x1b: {  	s9 =	sadd.s32 $0xFFFFFEF7, lr;
	s5 =	simm.s32 $0xFFFFFFFF;
	p2 =	slt.u32 s8, $0xFFFFF086  }
0x1c: {  	p1 =	slt.u32 s9, $0xF7A;
	s5 =	simm.s32 @!p2 $0x0  }
0x1d: {  	s5 =	simm.s32 @p1 $0x1;
	p0 =	seq.s32 s7, s2  }
0x1e: {  	s7 =	smul.u32 @!p0 $0xF7A, s2;
	p2 =	seq.s32 @!p0 s5, $0x0  }
0x1f: {  	s9 =	smul.u32 $0xF7A, s1;
	s8 =	simm.s32 @!p0 $0x1BF5;
	p2 =	por !p2, p0  }
0x20: {  	[sflag:s8] =	ssyncset.s32 @!p0 $0xFFFFF086;
	s6 =	sadd.s32 @!p0 s3, s7;
	s7 =	simm.s32 @!p0 $0x108  }
0x21: {  	s3 =	sadd.s32 s3, s9;
	s6 =	sadd.s32 @!p0 $0x88, s6;
	s7 =	simm.s32 @p2 $0x1082  }
0x22: {  	[simem:s7], [sflag:s8] =	dma.local @!p0 [hbm:s6], $0xF7A  }
0x23: {  	s9 =	sor.u32 $0xD0000000, s2;
	s6 =	simm.s32 $0x108;
	_ =	swait.ge @!p0 [sflag:s8], $0x0  }
0x24: {  	s3 =	sadd.s32 $0x88, s3;
	s6 =	simm.s32 @!p1 $0x1082;
	[sflag:s4] =	ssyncset.s32 $0xFFFFF086  }
0x25: {  	[simem:s6], [sflag:s4] =	dma.local [hbm:s3], $0xF7A  }
0x26: {  	[smem:$0x3F9E] =	sst s1;
	(tag) =	ssettag s2;
	_ =	strace s9  }
0x27: {  	s1 =	sld [smem:$0x3FAE]  }
0x28: {  	s2 =	sld [smem:$0x3FAF]  }
0x29: {  	s4 =	sld [smem:$0x3FB1]  }
0x2a: {  	p0 =	seq.s32 s5, $0x0;
	s5 =	sld [smem:$0x3FB2]  }
0x2b: {  	s6 =	sld [smem:$0x3FB3]  }
0x2c: {  	s7 =	sld [smem:$0x3FB4]  }
0x2d: {  	s3 =	simm.s32 $0x108;
	s8 =	sld [smem:$0x3FB5]  }
0x2e: {  	s3 =	simm.s32 @!p0 $0x1082;
	s9 =	sld [smem:$0x3FB6]  }
0x2f: {  	lr =	sadd.s32 s0, s3;
	s0 =	sld [smem:$0x3FAD]  }
0x30: {  	s3 =	sld [smem:$0x3FB0]  }
0x31: {  	[smem:$0x3FB9] =	sst s10  }
0x32: {  	s10 =	sld [smem:$0x3FB7];
	_ =	sdelay $0x3  }
0x33: {  	p0 =	seq.s32 s10, $0x1;
	s10 =	sld [smem:$0x3FB9];
	_ =	sdelay $0x3  }
0x34: {  	[smem:$0x3FB9] =	sst s10  }
0x35: {  	s10 =	sld [smem:$0x3FB8];
	_ =	sdelay $0x3  }
0x36: {  	p1 =	seq.s32 s10, $0x1;
	s10 =	sld [smem:$0x3FB9];
	_ =	sdelay $0x3  }
0x37: {  	[smem:$0x3FB9] =	sst s10  }
0x38: {  	s10 =	sld [smem:$0x3FBA]  }
0x39: {  	_ = 	snop;
	(pc) =	sbr.ind lr, $3  }
0x3a: {  	_ = 	snop  }
0x3b: {  	_ = 	snop  }
0x3c: {  	p2 =	seq.s32 s10, $0x1;
	s10 =	sld [smem:$0x3FB9]  }
0x3d: {  	_ =	shalt  }
0x3e: {  	_ =	shalt  }
0x3f: {  	_ =	shalt  }
0x40: {  	_ =	shalt  }
0x41: {  	_ =	shalt  }
0x42: {  	_ =	shalt  }
0x43: {  	_ =	shalt  }
0x44: {  	_ =	shalt  }
0x45: {  	_ =	shalt  }
0x46: {  	_ =	shalt  }
0x47: {  	_ =	shalt  }
0x48: {  	_ =	shalt  }
0x49: {  	_ =	shalt  }
0x4a: {  	_ =	shalt  }
0x4b: {  	_ =	shalt  }
0x4c: {  	_ =	shalt  }
0x4d: {  	_ =	shalt  }
0x4e: {  	_ =	shalt  }
0x4f: {  	_ =	shalt  }
0x50: {  	_ =	shalt  }
0x51: {  	_ =	shalt  }
0x52: {  	_ =	shalt  }
0x53: {  	_ =	shalt  }
0x54: {  	_ =	shalt  }
0x55: {  	_ =	shalt  }
0x56: {  	_ =	shalt  }
0x57: {  	_ =	shalt  }
0x58: {  	_ =	shalt  }
0x59: {  	_ =	shalt  }
0x5a: {  	_ =	shalt  }
0x5b: {  	_ =	shalt  }
0x5c: {  	_ =	shalt  }
0x5d: {  	_ =	shalt  }
0x5e: {  	_ =	shalt  }
0x5f: {  	_ =	shalt  }
0x60: {  	_ =	shalt  }
0x61: {  	_ =	shalt  }
0x62: {  	_ =	shalt  }
0x63: {  	_ =	shalt  }
0x64: {  	_ =	shalt  }
0x65: {  	_ =	shalt  }
0x66: {  	_ =	shalt  }
0x67: {  	_ =	shalt  }
0x68: {  	_ =	shalt  }
0x69: {  	_ =	shalt  }
0x6a: {  	_ =	shalt  }
0x6b: {  	_ =	shalt  }
0x6c: {  	_ =	shalt  }
0x6d: {  	_ =	shalt  }
0x6e: {  	_ =	shalt  }
0x6f: {  	_ =	shalt  }
0x70: {  	_ =	shalt  }
0x71: {  	_ =	shalt  }
0x72: {  	_ =	shalt  }
0x73: {  	_ =	shalt  }
0x74: {  	_ =	shalt  }
0x75: {  	_ =	shalt  }
0x76: {  	_ =	shalt  }
0x77: {  	_ =	shalt  }
0x78: {  	_ =	shalt  }
0x79: {  	_ =	shalt  }
0x7a: {  	_ =	shalt  }
0x7b: {  	_ =	shalt  }
0x7c: {  	_ =	shalt  }
0x7d: {  	_ =	shalt  }
0x7e: {  	_ =	shalt  }
0x7f: {  	_ =	shalt  }
0x80: {  	_ =	shalt  }
0x81: {  	_ =	shalt  }
0x82: {  	_ =	shalt  }
0x83: {  	_ =	shalt  }
0x84: {  	_ =	shalt  }
0x85: {  	_ =	shalt  }
0x86: {  	_ =	shalt  }
0x87: {  	_ =	shalt  }
.Lfunc_end0:
.L_simem_size_0:
called_computation_lowered:
.L_overlay_start_0:
0x88: {  	s0 =	sld [smem:$0x3FD9]  }
0x89: {  	s1 =	sld [smem:$0x3FFE];
	_ =	sdelay $0x3  }
0x8a: {  	s0 =	sadd.s32 s1, s0  }
0x8b: {  	[smem:$0x3FC5] =	sst s0  }
0x8c: {  	_ = 	snop  }
0x8d: {  	s0 =	sld [smem:$0x3FD0];
	_ =	sdelay $0x2  }
0x8e: {  	s13 =	simm.s32 $0xA;
	s2 =	simm.s32 $0x10  }
0x8f: {  	[smem:s2], [sflag:s13] =	dma.local [hbm:s0], $0x1  }
0x90: {  	_ =	swait.eq [sflag:s13], $0x1  }
0x91: {  	[sflag:s13] =	ssyncset.done $0x0  }
0x92: {  	[sflag:s13] =	ssyncadd.s32 $0xFFFFFFFF  }
0x93: {  	s14 =	sld [smem:$0x10];
	(tm) =	ssettm $0x1  }
0x94: {  	s15 =	sld [smem:$0x3FFB];
	_ =	sdelay $0x3  }
0x95: {  	_ =	strace s15  }
0x96: {  	s1 =	sld [smem:$0x3FFC];
	_ =	sdelay $0x3  }
0x97: {  	_ =	strace s1  }
0x98: {  	s1 =	sld [smem:$0x3FFD];
	_ =	sdelay $0x3  }
0x99: {  	_ =	strace s1  }
0x9a: {  	_ =	strace $0x8FFFFFFF  }
0x9b: {  	s16 =	sld [smem:$0x3FDB];
	_ =	sdelay $0x1  }
0x9c: {  	s17 =	simm.s32 $_scs_section_size  }
0x9d: {  	s3 =	simm.s32 $_size__tile_overlayer_lowered;
	s4 =	simm.s32 $_tile_overlayer_lowered  }
0x9e: {  	s20 =	simm.s32 $0x1BFF;
	s19 =	sshll.u32 s4, $0x1;
	s1 =	sadd.s32 s17, s16  }
0x9f: {  	s5 =	simm.s32 $0x0;
	s18 =	sshll.u32 s3, $0x1;
	s3 =	sadd.s32 s19, s1  }
0xa0: {  	[timem:s5], [sflag:s20] =	dma.local [hbm:s3], s18  }
0xa1: {  	_ =	swait.ge [sflag:s20], s18  }
0xa2: {  	s2 =	ssub.s32 $0x0, s18;
	[sflag:s20] =	ssyncset.done $0x0  }
0xa3: {  	[sflag:s20] =	ssyncadd.s32 s2;
	_ =	sdelay $0x1  }
0xa4: {  	s21 =	simm.s32 $0x1B8B  }
0xa5: {  	_ =	swait.ge [sflag:s21], $0x1  }
0xa6: {  	[sflag:s21] =	ssyncset.done $0x0  }
0xa7: {  	s23 =	simm.s32 $0x1B8E;
	s22 =	sld [smem:$0x3FFE];
	[sflag:s21] =	ssyncadd.s32 $0xFFFFFFFF  }
0xa8: {  	s24 =	simm.s32 $execute0_lowered;
	[smem:$0x3FD2] =	sst s23  }
0xa9: {  	s3 =	sshll.u32 s24, $0x1;
	_ =	strace $0x80000046;
	[dreg:$0x1] =	wrdreg $0xFFFFFFFF  }
0xaa: {  	s25 =	simm.s32 $_size_execute0_lowered;
	s1 =	sadd.s32 s1, s3;
	[dreg:$0x0] =	wrdreg $0x0  }
0xab: {  	s3 =	sshll.u32 s25, $0x1;
	[dreg:$0x2] =	wrdreg s1  }
0xac: {  	[dreg:$0x3] =	wrdreg s3  }
0xad: {  	[dreg:$0x4] =	wrdreg $0xC0  }
0xae: {  	_ =	task [dreg:s5], $0x5FFFF  }
0xaf: {  	[dreg:$0x1] =	wrdreg $0xFFFFFFFF  }
0xb0: {  	[dreg:$0x0] =	wrdreg $0x60  }
0xb1: {  	[dreg:$0x2] =	wrdreg s22  }
0xb2: {  	[dreg:$0x3] =	wrdreg s14  }
0xb3: {  	[dreg:$0x4] =	wrdreg $0x9  }
0xb4: {  	_ =	task.clear_ibuf [dreg:s5], $0x5FFFF;
	_ =	strace $0x90000046  }
0xb5: {  	s26 =	simm.s32 $0x9;
	_ =	strace $0x80000048  }
0xb6: {  	_ =	swait.ge [sflag:s26], $0x1  }
0xb7: {  	[sflag:s26] =	ssyncadd.s32 $0xFFFFFFFF  }
0xb8: {  	_ =	strace $0x90000048  }
0xb9: {  	_ =	sfence  }
0xba: {  	s28 =	sld [smem:$0x0];
	_ =	sdelay $0x1  }
0xbb: {  	s29 =	srdreg.scid  }
0xbc: {  	s30 =	sshll.u32 s29, $0xD;
	s31 =	sshrl.u32 s29, $0x2  }
0xbd: {  	s2 =	sand.u32 $0x4000, s30;
	s1 =	sand.u32 $0x1, s29;
	s0 =	sadd.s32 s31, s28  }
0xbe: {  	s1 =	sor.u32 s2, s1;
	s0 =	sshll.u32 s0, $0x11  }
0xbf: {  	s0 =	sor.u32 s0, s1  }
0xc0: {  	s0 =	sadd.s32 $0x8F2B, s0  }
0xc1: {  	[sflag:s0] =	ssyncadd.remote.s32 $0x1  }
0xc2: {  	_ =	sfence.sel $0xFFFF  }
0xc3: {  	[dreg:$0x0] =	wrdreg $0xFFFFFFFF;
	(pc) =	sbr.abs _section_cstart, $3  }
0xc4: {  	[dreg:$0x1] =	wrdreg $0xFFFFFFFF  }
0xc5: {  	_ =	task.clear_ibuf [dreg:s5], $0x2FFFF;
	_ =	strace $0x9FFFFFFF  }
0xc6: {  	(tm) =	ssettm $0x7FFFFFFF  }
0xc7: {  	_ =	shalt  }
tec
execute0_lowered:
.L_overlay_start_1:
0x0: {  	(tag) =	ssettag $0x1  }
0x1: {  	s0 =	rddreg [dreg:$0x0]  }
0x2: {  	s1 =	rddreg [dreg:$0x1];
	s2 =	stileid.u32  }
0x3: {  	s3 =	rddreg [dreg:$0x2];
	s4 =	simm.s32 $0x0;
	s5 =	sshll.u32 s2, $0x5  }
0x4: {  	[smem:$0x7FF] =	sst s4;
	s5 =	sadd.s32 s5, s0  }
0x5: {  	s29 =	simm.s32 $0x2;
	_ =	strace $0x80000047;
	s5 =	sadd.s32 $0xE00, s5  }
0x6: {  	[tilespmem:s4], [sflag:$0x2] =	stream.linear.gather [hbm4b:s5+s4], $0x100, $0x38;
	[tilespmem:$0x4100] =	vst v63  }
0x7: {  	_ =	swait.ge [sflag:s29], $0x100  }
0x8: {  	s6 =	simm.s32 $0x80;
	[sflag:s29] =	ssyncset.done $0x0  }
0x9: {  	s7 =	simm.s32 $0x100;
	s0 =	sadd.s32 $0x600, s0;
	[sflag:s29] =	ssyncadd.s32 $0xFFFFFF00  }
0xa: {  	[tilespmem:s7], [sflag:$0x1] =	stream.indirect.gather [hbm4b:s0+s6], $0x40, s4, s6, $0xb8;
	[tilespmem:$0x4100] =	vst v63  }
0xb: {  	s8 =	simm.s32 $0x2100;
	s30 =	simm.s32 $0x1  }
0xc: {  	[tilespmem:s8], [sflag:$0x1] =	stream.indirect.gather [hbm4b:s0+s6], $0x40, s6, s6, $0xb8;
	[tilespmem:$0x4100] =	vst v63  }
0xd: {  	_ =	swait.ge [sflag:s30], $0x2000  }
0xe: {  	s31 =	sshll.u32 s2, $0xB;
	[sflag:s30] =	ssyncset.done $0x0  }
0xf: {  	s1 =	sadd.s32 s1, s31;
	[sflag:s30] =	ssyncadd.s32 $0xFFFFE000  }
0x10: {  	[hbm4b:s1+s4] =	stream.linear.scatter [tilespmem:s7], [sflag:$0x2], $0x2000, $0x38;
	[tilespmem:$0x4100] =	vst v63  }
0x11: {  	_ =	swait.ge [sflag:s29], $0x2000  }
0x12: {  	[sflag:s29] =	ssyncset.done $0x0  }
0x13: {  	[sflag:s29] =	ssyncadd.s32 $0xFFFFE000  }
0x14: {  	_ =	swait.ge [sflag:s30], $0x2000  }
0x15: {  	[sflag:s30] =	ssyncset.done $0x0  }
0x16: {  	s1 =	sadd.s32 $0x400, s1;
	[sflag:s30] =	ssyncadd.s32 $0xFFFFE000  }
0x17: {  	[hbm4b:s1+s4] =	stream.linear.scatter [tilespmem:s8], [sflag:$0x2], $0x2000, $0x38;
	[tilespmem:$0x4100] =	vst v63  }
0x18: {  	_ =	swait.ge [sflag:s29], $0x2000  }
0x19: {  	[sflag:s29] =	ssyncset.done $0x0  }
0x1a: {  	[sflag:s29] =	ssyncadd.s32 $0xFFFFE000  }
0x1b: {  	_ =	sfence.sel $0x180000  }
0x1c: {  	[bflag:$0x0] =	sbarrier.arrive $0xFFFF  }
0x1d: {  	p0 =	sne.s32 s2, $0x0;
	_ =	strace $0x90000047  }
0x1e: {  	s0 =	sadd.s32 @!p0 $0x100000, s3;
	[bflag:$0x2] =	sbarrier.arrive $0xFFFF  }
0x1f: {  	[sflag:s0] =	ssyncadd.tile.s32 @!p0 $0x1;
	_ =	shalt  }
.Lfunc_end2:
_tile_overlayer_lowered:
.L_overlay_start_2:
0x20: {  	(tag) =	ssettag $0x2  }
0x21: {  	s0 =	rddreg [dreg:$0x0];
	s2 =	stileid.u32  }
0x22: {  	s1 =	rddreg [dreg:$0x1];
	p0 =	sne.s32 s2, $0x0  }
0x23: {  	s3 =	rddreg [dreg:$0x2];
	[bflag:$0x3] =	sbarrier.arrive $0xFFFF;
	s2 =	simm.s32 @!p0 $0x1C02  }
0x24: {  	[timem:s3], [sflag:s2] =	dma.local @!p0 [hbm:s0], s1  }
0x25: {  	s0 =	simm.s32 @!p0 $0x2  }
0x26: {  	_ =	swait.ge @!p0 [sflag:s0], s1  }
0x27: {  	s1 =	ssub.s32 @!p0 $0x0, s1;
	[sflag:s0] =	ssyncset.done @!p0 $0x0  }
0x28: {  	[sflag:s0] =	ssyncadd.s32 @!p0 s1  }
0x29: {  	[bflag:$0x3] =	sbarrier.arrive $0xFFFF  }
0x2a: {  	_ =	shalt  }

</sc_bundles>
